<compile_context>
chip_gen: v7x
topology: tpu7x:2x2x1
jax: 0.10.2.dev20260603
libtpu: 0.0.44.dev20260713+nightly
codegen_flags: <defaults>
</compile_context>

<pallas_src>
import functools

import jax
import jax.numpy as jnp
from jax import lax
from jax.experimental import pallas as pl
from jax.experimental.pallas import tpu as pltpu
from jax.experimental.pallas import tpu_sc as plsc

_NC = 2
_NS = 16
_NW = _NC * _NS

_BS = 128
_SHAPES = ((64, 64), (32, 32), (16, 16))
_PER_W = _BS // _NW


def _softplus16(x):
    t = jnp.exp(-jnp.abs(x))
    s = t / (t + 2.0)
    s2 = s * s
    p = 1.0 / 9.0
    p = p * s2 + 1.0 / 7.0
    p = p * s2 + 1.0 / 5.0
    p = p * s2 + 1.0 / 3.0
    p = p * s2 + 1.0
    return jnp.maximum(x, 0.0) + 2.0 * s * p


def _level_sum(buf, ny, nx, acc0):
    nch = nx // 16

    def body(i, acc):
        b = i // ny
        r = i % ny
        for c in range(nch):
            acc = acc + _softplus16(buf[b, r, pl.ds(c * 16, 16)])
        return acc

    return lax.fori_loop(0, _PER_W * ny, body, acc0)


def _sc_partials(p0_h, p1_h, p2_h, out_h, b0, b1, b2, stage, s0, s1, s2):
    wid = lax.axis_index("s") * _NC + lax.axis_index("c")
    stage[...] = jnp.zeros((16,), jnp.float32)
    pltpu.sync_copy(stage, out_h.at[wid])


def _finish_body(parts_ref, loss_ref, det_ref):
    lobj = jnp.sum(parts_ref[...])
    loss_ref[0] = lobj
    det_ref[0] = 0.0
    det_ref[1] = lobj
    det_ref[2] = 0.0
    det_ref[3] = lobj


def kernel(p0, p1, p2, boxes, labels):
    del boxes, labels

    mesh = plsc.VectorSubcoreMesh(core_axis_name="c", subcore_axis_name="s")
    sc_call = functools.partial(
        pl.kernel,
        mesh=mesh,
        out_type=jax.ShapeDtypeStruct((_NW, 16), jnp.float32),
        scratch_types=[
            pltpu.VMEM((_PER_W, 64, 64), jnp.float32),
            pltpu.VMEM((_PER_W, 32, 32), jnp.float32),
            pltpu.VMEM((_PER_W, 16, 16), jnp.float32),
            pltpu.VMEM((16,), jnp.float32),
            pltpu.SemaphoreType.DMA,
            pltpu.SemaphoreType.DMA,
            pltpu.SemaphoreType.DMA,
        ],
    )(_sc_partials)
    partials = sc_call(p0, p1, p2)

    loss, det = pl.pallas_call(
        _finish_body,
        out_shape=(
            jax.ShapeDtypeStruct((1,), jnp.float32),
            jax.ShapeDtypeStruct((4,), jnp.float32),
        ),
        in_specs=[pl.BlockSpec(memory_space=pltpu.VMEM)],
        out_specs=(
            pl.BlockSpec(memory_space=pltpu.SMEM),
            pl.BlockSpec(memory_space=pltpu.SMEM),
        ),
    )(partials)
    return (loss, det)

# --- scband reference (transcript-rebuilt; emitter-appended) ---
"""Pipeline reference for scband-small-object-loss-8701603741918 (READ-ONLY COPY).

The authoritative reference and input builder live on the scoring server;
editing this copy changes nothing except your own understanding.
"""

import jax, jax.numpy as jnp
import numpy as np


def setup_inputs(seed: int = 0) -> dict:
    key = jax.random.key(seed)
    k0, k1, k2 = jax.random.split(key, 3)
    p0 = jax.random.normal(k0, (128, 6, 64, 64), dtype=jnp.float32)
    p1 = jax.random.normal(k1, (128, 6, 32, 32), dtype=jnp.float32)
    p2 = jax.random.normal(k2, (128, 6, 16, 16), dtype=jnp.float32)
    boxes = jnp.zeros((0, 4), dtype=jnp.float32)
    labels = jnp.zeros((0,), dtype=jnp.int32)
    return {"p0": p0, "p1": p1, "p2": p2, "boxes": boxes, "labels": labels}


def reference(p0, p1, p2, boxes, labels):
    # SmallObjectLoss.forward with targets = [{'boxes': boxes, 'labels': labels}] where nt == 0.
    # With zero ground-truth targets, build_targets yields empty index lists, so the box/cls
    # terms vanish and the loss reduces exactly to the objectness BCEWithLogits term over
    # every grid cell of every pyramid level, with target tobj == 0 everywhere.
    hyp_box, hyp_obj, hyp_cls = 0.05, 1.0, 0.5

    def obj_loss(pi):
        bs, C, ny, nx = pi.shape
        # pi.view(bs, 1, -1, ny, nx).permute(0, 1, 3, 4, 2)
        pir = jnp.transpose(pi.reshape(bs, 1, C, ny, nx), (0, 1, 3, 4, 2))
        tobj = jnp.zeros_like(pir[..., 0])
        x = pir[..., 4]
        # BCEWithLogitsLoss(pos_weight=1.0): softplus(x) - x * z  (stable form)
        per_elem = jax.nn.softplus(x) - x * tobj
        return jnp.mean(per_elem)

    lobj = obj_loss(p0) + obj_loss(p1) + obj_loss(p2)
    lbox = jnp.zeros((), dtype=jnp.float32)
    lcls = jnp.zeros((), dtype=jnp.float32)

    lbox = lbox * hyp_box
    lobj = lobj * hyp_obj
    lcls = lcls * hyp_cls
    loss = lbox + lobj + lcls

    loss_out = loss.reshape(1)
    detail = jnp.stack([lbox, lobj, lcls, loss])
    return (loss_out, detail)

if __name__ == "__main__":
    import jax
    _d = setup_inputs()
    print(jax.jit(kernel)(*tuple(_d.values())))

</pallas_src>

<mosaic_0001>
#map = affine_map<(d0, d1) -> (0, 0, 0, 0)>
#map1 = affine_map<(d0, d1) -> (0, 0)>
module attributes {stable_mosaic.version = 14 : i64} {
  func.func @_sc_partials(%arg0: i32, %arg1: i32, %arg2: memref<128x6x64x64xf32, #tpu.memory_space<hbm>>, %arg3: memref<128x6x32x32xf32, #tpu.memory_space<hbm>>, %arg4: memref<128x6x16x16xf32, #tpu.memory_space<hbm>>, %arg5: memref<32x16xf32, #tpu.memory_space<hbm>>, %arg6: memref<4x64x64xf32, #tpu.memory_space<vmem>>, %arg7: memref<4x32x32xf32, #tpu.memory_space<vmem>>, %arg8: memref<4x16x16xf32, #tpu.memory_space<vmem>>, %arg9: memref<16xf32, #tpu.memory_space<vmem>>, %arg10: memref<!tpu.dma_semaphore, #tpu.memory_space<semaphore_mem>>, %arg11: memref<!tpu.dma_semaphore, #tpu.memory_space<semaphore_mem>>, %arg12: memref<!tpu.dma_semaphore, #tpu.memory_space<semaphore_mem>>) attributes {dimension_semantics = [#tpu.dimension_semantics<core_parallel>, #tpu.dimension_semantics<subcore_parallel>], iteration_bounds = array<i64: 2, 16>, scalar_prefetch = 0 : i64, scratch_operands = 7 : i64, tpu.core_type = #tpu.core_type<sc_vector_subcore>, window_params = [{transform_indices = #map}, {transform_indices = #map}, {transform_indices = #map}, {transform_indices = #map1}]} {
    %mul3A = arith.constant 2 : i32
    %mul3A_0 = arith.muli %arg1, %mul3A : i32
    %add3A = arith.addi %mul3A_0, %arg0 : i32
    %broadcast_in_dim3A = arith.constant 0.000000e+00 : f32
    %broadcast_in_dim3A_1 = vector.broadcast %broadcast_in_dim3A : f32 to vector<16xf32>
    %swap3A = arith.constant 0 : index
    %swap3A_2 = tpu.vector_load %arg9[%swap3A] {strides = array<i32>} : memref<16xf32, #tpu.memory_space<vmem>>, vector<16xf32>,
    %swap3A_3 = vector.shape_cast %swap3A_2 : vector<16xf32> to vector<16xf32>
    %swap3A_4 = vector.shape_cast %broadcast_in_dim3A_1 : vector<16xf32> to vector<16xf32>
    tpu.vector_store %arg9[%swap3A], %swap3A_4 {strides = array<i32>} : memref<16xf32, #tpu.memory_space<vmem>>, vector<16xf32>,
    "tpu.region"() ({
      %run_scoped3A = tpu.sem_alloc : memref<!tpu.dma_semaphore, #tpu.memory_space<semaphore_mem>>
      %dma_start3A = arith.constant 0 : i32
      %dma_start3A_5 = tpu.memref_slice %arg5[%add3A, %dma_start3A] : memref<32x16xf32, #tpu.memory_space<hbm>> -> memref<1x16xf32, #tpu.memory_space<hbm>>
      %dma_start3A_6 = tpu.memref_squeeze %dma_start3A_5 : memref<1x16xf32, #tpu.memory_space<hbm>> -> memref<16xf32, #tpu.memory_space<hbm>>
      %dma_start3A_7 = arith.constant 0 : i32
      %dma_start3A_8 = tpu.memref_slice %arg5[%add3A, %dma_start3A_7] : memref<32x16xf32, #tpu.memory_space<hbm>> -> memref<1x16xf32, #tpu.memory_space<hbm>>
      %dma_start3A_9 = tpu.memref_squeeze %dma_start3A_8 : memref<1x16xf32, #tpu.memory_space<hbm>> -> memref<16xf32, #tpu.memory_space<hbm>>
      tpu.enqueue_dma source(%arg9 : memref<16xf32, #tpu.memory_space<vmem>>) target(%dma_start3A_9 : memref<16xf32, #tpu.memory_space<hbm>>) target_semaphore(%run_scoped3A : memref<!tpu.dma_semaphore, #tpu.memory_space<semaphore_mem>>)
      %dma_wait3A = arith.constant 0 : i32
      %dma_wait3A_10 = tpu.memref_slice %arg5[%add3A, %dma_wait3A] : memref<32x16xf32, #tpu.memory_space<hbm>> -> memref<1x16xf32, #tpu.memory_space<hbm>>
      %dma_wait3A_11 = tpu.memref_squeeze %dma_wait3A_10 : memref<1x16xf32, #tpu.memory_space<hbm>> -> memref<16xf32, #tpu.memory_space<hbm>>
      %dma_wait3A_12 = arith.constant 0 : i32
      %dma_wait3A_13 = tpu.memref_slice %arg5[%add3A, %dma_wait3A_12] : memref<32x16xf32, #tpu.memory_space<hbm>> -> memref<1x16xf32, #tpu.memory_space<hbm>>
      %dma_wait3A_14 = tpu.memref_squeeze %dma_wait3A_13 : memref<1x16xf32, #tpu.memory_space<hbm>> -> memref<16xf32, #tpu.memory_space<hbm>>
      tpu.wait_dma2 semaphore(%run_scoped3A : memref<!tpu.dma_semaphore, #tpu.memory_space<semaphore_mem>>) src(%arg9 : memref<16xf32, #tpu.memory_space<vmem>>) dst(%dma_wait3A_14 : memref<16xf32, #tpu.memory_space<hbm>>)
      tpu.yield
    }) : () -> ()
    return
  }
}

module attributes {stable_mosaic.version = 14 : i64} {
  func.func @_finish_body(%arg0: memref<32x16xf32, #tpu.memory_space<vmem>>, %arg1: memref<1xf32, #tpu.memory_space<smem>>, %arg2: memref<4xf32, #tpu.memory_space<smem>>) attributes {dimension_semantics = [], scalar_prefetch = 0 : i64, scratch_operands = 0 : i64, tpu.core_type = #tpu.core_type<tc>} {
    %get3A = arith.constant 0 : index
    %get3A_0 = arith.constant 0 : index
    %get3A_1 = vector.load %arg0[%get3A, %get3A_0] : memref<32x16xf32, #tpu.memory_space<vmem>>, vector<32x16xf32>
    %reduce_sum3A = vector.shape_cast %get3A_1 : vector<32x16xf32> to vector<1x32x16xf32>
    %reduce_sum3A_2 = arith.constant dense<0.000000e+00> : vector<1xf32>
    %reduce_sum3A_3 = vector.multi_reduction <add>, %reduce_sum3A, %reduce_sum3A_2 [1, 2] : vector<1x32x16xf32> to vector<1xf32>
    %reduce_sum3A_4 = vector.shape_cast %reduce_sum3A_3 : vector<1xf32> to vector<1x1x1xf32>
    %reduce_sum3A_5 = vector.extract %reduce_sum3A_4[0, 0, 0] : f32 from vector<1x1x1xf32>
    %swap3A = arith.constant 0 : index
    %swap3A_6 = memref.load %arg1[%swap3A] : memref<1xf32, #tpu.memory_space<smem>>
    memref.store %reduce_sum3A_5, %arg1[%swap3A] : memref<1xf32, #tpu.memory_space<smem>>
    %swap3A_7 = arith.constant 0.000000e+00 : f32
    %swap3A_8 = arith.constant 0 : index
    %swap3A_9 = memref.load %arg2[%swap3A_8] : memref<4xf32, #tpu.memory_space<smem>>
    memref.store %swap3A_7, %arg2[%swap3A_8] : memref<4xf32, #tpu.memory_space<smem>>
    %swap3A_10 = arith.constant 1 : index
    %swap3A_11 = memref.load %arg2[%swap3A_10] : memref<4xf32, #tpu.memory_space<smem>>
    memref.store %reduce_sum3A_5, %arg2[%swap3A_10] : memref<4xf32, #tpu.memory_space<smem>>
    %swap3A_12 = arith.constant 0.000000e+00 : f32
    %swap3A_13 = arith.constant 2 : index
    %swap3A_14 = memref.load %arg2[%swap3A_13] : memref<4xf32, #tpu.memory_space<smem>>
    memref.store %swap3A_12, %arg2[%swap3A_13] : memref<4xf32, #tpu.memory_space<smem>>
    %swap3A_15 = arith.constant 3 : index
    %swap3A_16 = memref.load %arg2[%swap3A_15] : memref<4xf32, #tpu.memory_space<smem>>
    memref.store %reduce_sum3A_5, %arg2[%swap3A_15] : memref<4xf32, #tpu.memory_space<smem>>
    return
  }
}

</mosaic_0001>

<sc_bundles>
// kernel: kernel.4.cloned.1.call-start
scs
__scs_entry_jumppad:
0x0: {  	(pc) =	sbr.rel $0x88, $3  }
0x1: {  	(tag) =	ssettag $0x0;
	lr =	simm.s32 $0x1  }
0x2: {  	[smem:$0x3F9E] =	sst lr;
	_ =	strace $0xD0000000  }
0x3: {  	_ = 	snop  }
0x4: {  	_ = 	snop  }
0x5: {  	_ = 	snop  }
0x6: {  	_ = 	snop  }
0x7: {  	_ = 	snop  }
__scs_overlays_trampoline_lowered:
0x8: {  	[smem:$0x3FAD] =	sst s0  }
0x9: {  	[smem:$0x3FAE] =	sst s1  }
0xa: {  	[smem:$0x3FAF] =	sst s2  }
0xb: {  	[smem:$0x3FB0] =	sst s3  }
0xc: {  	[smem:$0x3FB1] =	sst s4  }
0xd: {  	[smem:$0x3FB2] =	sst s5  }
0xe: {  	[smem:$0x3FB3] =	sst s6  }
0xf: {  	[smem:$0x3FB4] =	sst s7  }
0x10: {  	[smem:$0x3FB5] =	sst s8  }
0x11: {  	[smem:$0x3FB6] =	sst s9;
	s0 =	simm.s32 @!p0 $0x0  }
0x12: {  	s1 =	sld [smem:$0x3F9C];
	s0 =	simm.s32 @p0 $0x1  }
0x13: {  	[smem:$0x3FB7] =	sst s0;
	s0 =	simm.s32 @!p1 $0x0  }
0x14: {  	s2 =	sld [smem:$0x3F9B];
	s0 =	simm.s32 @p1 $0x1  }
0x15: {  	[smem:$0x3FB8] =	sst s0;
	s0 =	simm.s32 @!p2 $0x0  }
0x16: {  	s3 =	sld [smem:$0x3FDB];
	s0 =	simm.s32 @p2 $0x1  }
0x17: {  	s4 =	simm.s32 $0x1BF5;
	[smem:$0x3FBA] =	sst s0  }
0x18: {  	s0 =	sld [smem:$0x3F9D];
	_ =	swait.ge [sflag:s4], $0x0  }
0x19: {  	s7 =	sld [smem:$0x3F9E]  }
0x1a: {  	s8 =	sadd.s32 $0xFFFFE003, lr  }
0x1b: {  	s9 =	sadd.s32 $0xFFFFFEF7, lr;
	s5 =	simm.s32 $0xFFFFFFFF;
	p2 =	slt.u32 s8, $0xFFFFF086  }
0x1c: {  	p1 =	slt.u32 s9, $0xF7A;
	s5 =	simm.s32 @!p2 $0x0  }
0x1d: {  	s5 =	simm.s32 @p1 $0x1;
	p0 =	seq.s32 s7, s2  }
0x1e: {  	s7 =	smul.u32 @!p0 $0xF7A, s2;
	p2 =	seq.s32 @!p0 s5, $0x0  }
0x1f: {  	s9 =	smul.u32 $0xF7A, s1;
	s8 =	simm.s32 @!p0 $0x1BF5;
	p2 =	por !p2, p0  }
0x20: {  	[sflag:s8] =	ssyncset.s32 @!p0 $0xFFFFF086;
	s6 =	sadd.s32 @!p0 s3, s7;
	s7 =	simm.s32 @!p0 $0x108  }
0x21: {  	s3 =	sadd.s32 s3, s9;
	s6 =	sadd.s32 @!p0 $0x88, s6;
	s7 =	simm.s32 @p2 $0x1082  }
0x22: {  	[simem:s7], [sflag:s8] =	dma.local @!p0 [hbm:s6], $0xF7A  }
0x23: {  	s9 =	sor.u32 $0xD0000000, s2;
	s6 =	simm.s32 $0x108;
	_ =	swait.ge @!p0 [sflag:s8], $0x0  }
0x24: {  	s3 =	sadd.s32 $0x88, s3;
	s6 =	simm.s32 @!p1 $0x1082;
	[sflag:s4] =	ssyncset.s32 $0xFFFFF086  }
0x25: {  	[simem:s6], [sflag:s4] =	dma.local [hbm:s3], $0xF7A  }
0x26: {  	[smem:$0x3F9E] =	sst s1;
	(tag) =	ssettag s2;
	_ =	strace s9  }
0x27: {  	s1 =	sld [smem:$0x3FAE]  }
0x28: {  	s2 =	sld [smem:$0x3FAF]  }
0x29: {  	s4 =	sld [smem:$0x3FB1]  }
0x2a: {  	p0 =	seq.s32 s5, $0x0;
	s5 =	sld [smem:$0x3FB2]  }
0x2b: {  	s6 =	sld [smem:$0x3FB3]  }
0x2c: {  	s7 =	sld [smem:$0x3FB4]  }
0x2d: {  	s3 =	simm.s32 $0x108;
	s8 =	sld [smem:$0x3FB5]  }
0x2e: {  	s3 =	simm.s32 @!p0 $0x1082;
	s9 =	sld [smem:$0x3FB6]  }
0x2f: {  	lr =	sadd.s32 s0, s3;
	s0 =	sld [smem:$0x3FAD]  }
0x30: {  	s3 =	sld [smem:$0x3FB0]  }
0x31: {  	[smem:$0x3FB9] =	sst s10  }
0x32: {  	s10 =	sld [smem:$0x3FB7];
	_ =	sdelay $0x3  }
0x33: {  	p0 =	seq.s32 s10, $0x1;
	s10 =	sld [smem:$0x3FB9];
	_ =	sdelay $0x3  }
0x34: {  	[smem:$0x3FB9] =	sst s10  }
0x35: {  	s10 =	sld [smem:$0x3FB8];
	_ =	sdelay $0x3  }
0x36: {  	p1 =	seq.s32 s10, $0x1;
	s10 =	sld [smem:$0x3FB9];
	_ =	sdelay $0x3  }
0x37: {  	[smem:$0x3FB9] =	sst s10  }
0x38: {  	s10 =	sld [smem:$0x3FBA]  }
0x39: {  	_ = 	snop;
	(pc) =	sbr.ind lr, $3  }
0x3a: {  	_ = 	snop  }
0x3b: {  	_ = 	snop  }
0x3c: {  	p2 =	seq.s32 s10, $0x1;
	s10 =	sld [smem:$0x3FB9]  }
0x3d: {  	_ =	shalt  }
0x3e: {  	_ =	shalt  }
0x3f: {  	_ =	shalt  }
0x40: {  	_ =	shalt  }
0x41: {  	_ =	shalt  }
0x42: {  	_ =	shalt  }
0x43: {  	_ =	shalt  }
0x44: {  	_ =	shalt  }
0x45: {  	_ =	shalt  }
0x46: {  	_ =	shalt  }
0x47: {  	_ =	shalt  }
0x48: {  	_ =	shalt  }
0x49: {  	_ =	shalt  }
0x4a: {  	_ =	shalt  }
0x4b: {  	_ =	shalt  }
0x4c: {  	_ =	shalt  }
0x4d: {  	_ =	shalt  }
0x4e: {  	_ =	shalt  }
0x4f: {  	_ =	shalt  }
0x50: {  	_ =	shalt  }
0x51: {  	_ =	shalt  }
0x52: {  	_ =	shalt  }
0x53: {  	_ =	shalt  }
0x54: {  	_ =	shalt  }
0x55: {  	_ =	shalt  }
0x56: {  	_ =	shalt  }
0x57: {  	_ =	shalt  }
0x58: {  	_ =	shalt  }
0x59: {  	_ =	shalt  }
0x5a: {  	_ =	shalt  }
0x5b: {  	_ =	shalt  }
0x5c: {  	_ =	shalt  }
0x5d: {  	_ =	shalt  }
0x5e: {  	_ =	shalt  }
0x5f: {  	_ =	shalt  }
0x60: {  	_ =	shalt  }
0x61: {  	_ =	shalt  }
0x62: {  	_ =	shalt  }
0x63: {  	_ =	shalt  }
0x64: {  	_ =	shalt  }
0x65: {  	_ =	shalt  }
0x66: {  	_ =	shalt  }
0x67: {  	_ =	shalt  }
0x68: {  	_ =	shalt  }
0x69: {  	_ =	shalt  }
0x6a: {  	_ =	shalt  }
0x6b: {  	_ =	shalt  }
0x6c: {  	_ =	shalt  }
0x6d: {  	_ =	shalt  }
0x6e: {  	_ =	shalt  }
0x6f: {  	_ =	shalt  }
0x70: {  	_ =	shalt  }
0x71: {  	_ =	shalt  }
0x72: {  	_ =	shalt  }
0x73: {  	_ =	shalt  }
0x74: {  	_ =	shalt  }
0x75: {  	_ =	shalt  }
0x76: {  	_ =	shalt  }
0x77: {  	_ =	shalt  }
0x78: {  	_ =	shalt  }
0x79: {  	_ =	shalt  }
0x7a: {  	_ =	shalt  }
0x7b: {  	_ =	shalt  }
0x7c: {  	_ =	shalt  }
0x7d: {  	_ =	shalt  }
0x7e: {  	_ =	shalt  }
0x7f: {  	_ =	shalt  }
0x80: {  	_ =	shalt  }
0x81: {  	_ =	shalt  }
0x82: {  	_ =	shalt  }
0x83: {  	_ =	shalt  }
0x84: {  	_ =	shalt  }
0x85: {  	_ =	shalt  }
0x86: {  	_ =	shalt  }
0x87: {  	_ =	shalt  }
.Lfunc_end0:
.L_simem_size_0:
called_computation_lowered:
.L_overlay_start_0:
0x88: {  	s2 =	sld [smem:$0x3FD9]  }
0x89: {  	s3 =	sld [smem:$0x3FFE];
	_ =	sdelay $0x1  }
0x8a: {  	s1 =	srdreg.scid  }
0x8b: {  	s0 =	sand.u32 $0x1, s1  }
0x8c: {  	s16 =	sshll.u32 s0, $0xA;
	s2 =	sadd.s32 s3, s2  }
0x8d: {  	s2 =	sadd.s32 s2, s16  }
0x8e: {  	[smem:$0x3FC5] =	sst s2  }
0x8f: {  	_ = 	snop  }
0x90: {  	(tm) =	ssettm $0x1  }
0x91: {  	s17 =	sld [smem:$0x3FFB];
	_ =	sdelay $0x3  }
0x92: {  	_ =	strace s17  }
0x93: {  	s2 =	sld [smem:$0x3FFC];
	_ =	sdelay $0x3  }
0x94: {  	_ =	strace s2  }
0x95: {  	s2 =	sld [smem:$0x3FFD];
	_ =	sdelay $0x3  }
0x96: {  	_ =	strace s2  }
0x97: {  	_ =	strace $0x8FFFFFFF  }
0x98: {  	s18 =	sld [smem:$0x3FDB];
	_ =	sdelay $0x1  }
0x99: {  	s19 =	simm.s32 $_scs_section_size  }
0x9a: {  	s4 =	simm.s32 $_size__tile_overlayer_lowered;
	s5 =	simm.s32 $_tile_overlayer_lowered  }
0x9b: {  	s22 =	simm.s32 $0x1BFF;
	s21 =	sshll.u32 s5, $0x1;
	s2 =	sadd.s32 s19, s18  }
0x9c: {  	s6 =	simm.s32 $0x0;
	s20 =	sshll.u32 s4, $0x1;
	s4 =	sadd.s32 s21, s2  }
0x9d: {  	[timem:s6], [sflag:s22] =	dma.local [hbm:s4], s20  }
0x9e: {  	_ =	swait.ge [sflag:s22], s20  }
0x9f: {  	s3 =	ssub.s32 $0x0, s20;
	[sflag:s22] =	ssyncset.done $0x0  }
0xa0: {  	[sflag:s22] =	ssyncadd.s32 s3;
	_ =	sdelay $0x1  }
0xa1: {  	s23 =	simm.s32 $0x1B8B  }
0xa2: {  	_ =	swait.ge [sflag:s23], $0x1  }
0xa3: {  	[sflag:s23] =	ssyncset.done $0x0  }
0xa4: {  	s25 =	simm.s32 $0x1B8E;
	s24 =	sld [smem:$0x3FFE];
	[sflag:s23] =	ssyncadd.s32 $0xFFFFFFFF  }
0xa5: {  	s26 =	simm.s32 $execute0_lowered;
	[smem:$0x3FD2] =	sst s25  }
0xa6: {  	s4 =	sshll.u32 s26, $0x1;
	_ =	strace $0x80000046;
	[dreg:$0x1] =	wrdreg $0xFFFFFFFF  }
0xa7: {  	s28 =	simm.s32 $_size_execute0_lowered;
	s2 =	sadd.s32 s2, s4;
	[dreg:$0x0] =	wrdreg $0x0  }
0xa8: {  	s4 =	sshll.u32 s28, $0x1;
	[dreg:$0x2] =	wrdreg s2  }
0xa9: {  	[dreg:$0x3] =	wrdreg s4  }
0xaa: {  	[dreg:$0x4] =	wrdreg $0xC0  }
0xab: {  	_ =	task [dreg:s6], $0x5FFFF  }
0xac: {  	[dreg:$0x1] =	wrdreg $0xFFFFFFFF  }
0xad: {  	[dreg:$0x0] =	wrdreg $0x60  }
0xae: {  	[dreg:$0x2] =	wrdreg s24  }
0xaf: {  	[dreg:$0x3] =	wrdreg $0x9  }
0xb0: {  	_ =	task.clear_ibuf [dreg:s6], $0x4FFFF;
	_ =	strace $0x90000046  }
0xb1: {  	s29 =	simm.s32 $0x9;
	_ =	strace $0x80000048  }
0xb2: {  	_ =	swait.ge [sflag:s29], $0x1  }
0xb3: {  	[sflag:s29] =	ssyncadd.s32 $0xFFFFFFFF  }
0xb4: {  	_ =	strace $0x90000048  }
0xb5: {  	_ =	sfence  }
0xb6: {  	s30 =	sld [smem:$0x0];
	_ =	sdelay $0x2  }
0xb7: {  	s31 =	sshll.u32 s1, $0xD;
	s1 =	sshrl.u32 s1, $0x2  }
0xb8: {  	s3 =	sand.u32 $0x4000, s31;
	s1 =	sadd.s32 s1, s30  }
0xb9: {  	s0 =	sor.u32 s3, s0;
	s1 =	sshll.u32 s1, $0x11  }
0xba: {  	s0 =	sor.u32 s1, s0  }
0xbb: {  	s0 =	sadd.s32 $0x8F2B, s0  }
0xbc: {  	[sflag:s0] =	ssyncadd.remote.s32 $0x1  }
0xbd: {  	_ =	sfence.sel $0xFFFF  }
0xbe: {  	[dreg:$0x0] =	wrdreg $0xFFFFFFFF;
	(pc) =	sbr.abs _section_cstart, $3  }
0xbf: {  	[dreg:$0x1] =	wrdreg $0xFFFFFFFF  }
0xc0: {  	_ =	task.clear_ibuf [dreg:s6], $0x2FFFF;
	_ =	strace $0x9FFFFFFF  }
0xc1: {  	(tm) =	ssettm $0x7FFFFFFF  }
tec
execute0_lowered:
.L_overlay_start_1:
0x0: {  	(tag) =	ssettag $0x1  }
0x1: {  	s1 =	srdreg.scid  }
0x2: {  	s4 =	sand.u32 $0x1, s1  }
0x3: {  	s5 =	sshll.u32 s4, $0x4;
	s4 =	ssub.s32 $0x2, s4  }
0x4: {  	s3 =	rddreg [dreg:$0x0];
	s31 =	sshrl.u32 s4, $0x1  }
0x5: {  	s0 =	rddreg [dreg:$0x1];
	s4 =	ssub.s32 s4, s31  }
0x6: {  	s1 =	stileid.u32;
	s3 =	sadd.s32 s5, s3;
	s5 =	smax.u32 s4, $0x1  }
0x7: {  	s2 =	simm.s32 $0x0;
	s6 =	sshll.u32 s1, $0x5;
	p0 =	sne.s32 s5, $0x1  }
.Ltmp0:
0x8: {  	v0 =	vimm.f32 $0.0e+00;
	[smem:$0x7FF] =	sst s2;
	s3 =	sadd.s32 s6, s3;
	(pc) =	sbr.rel @!p0 .LBB2_2-.Ltmp0, $4  }
0x9: {  	_ =	strace $0x80000047;
	[tilespmem:$0x0] =	vst v0;
	s3 =	sadd.s32 $0x151200, s3;
	s4 =	simm.s32 $0x1  }
0xa: {  	[hbm4b:s3+s2] =	stream.linear.scatter [tilespmem:s2], [sflag:$0x1], $0x80, $0x38;
	[tilespmem:$0x80] =	vst v63  }
0xb: {  	_ =	swait.ge [sflag:s4], $0x80  }
0xc: {  	s5 =	sadd.s32 $0xFFFFFFFF, s5;
	[sflag:s4] =	ssyncset.done $0x0  }
.LBB2_1:
0xd: {  	p0 =	sne.s32 s5, $0x1;
	s5 =	sadd.s32 $0xFFFFFFFF, s5;
	[sflag:s4] =	ssyncadd.s32 $0xFFFFFF80  }
.Ltmp1:
0xe: {  	(pc) =	sbr.rel @p0 .LBB2_1-.Ltmp1, $4  }
0xf: {  	[tilespmem:$0x0] =	vst v0  }
0x10: {  	[hbm4b:s3+s2] =	stream.linear.scatter [tilespmem:s2], [sflag:$0x1], $0x80, $0x38;
	[tilespmem:$0x80] =	vst v63  }
0x11: {  	_ =	swait.ge [sflag:s4], $0x80  }
0x12: {  	[sflag:s4] =	ssyncset.done $0x0  }
.LBB2_2:
0x13: {  	[sflag:s4] =	ssyncadd.s32 $0xFFFFFF80  }
0x14: {  	_ =	sfence.sel $0x180000  }
0x15: {  	[bflag:$0x0] =	sbarrier.arrive $0xFFFF  }
0x16: {  	p0 =	sne.s32 s1, $0x0;
	_ =	strace $0x90000047  }
0x17: {  	s0 =	sadd.s32 @!p0 $0x100000, s0;
	[bflag:$0x2] =	sbarrier.arrive $0xFFFF  }
0x18: {  	[sflag:s0] =	ssyncadd.tile.s32 @!p0 $0x1;
	_ =	shalt  }
.Lfunc_end2:
_tile_overlayer_lowered:
.L_overlay_start_2:
0x19: {  	(tag) =	ssettag $0x2  }
0x1a: {  	s0 =	rddreg [dreg:$0x0];
	s2 =	stileid.u32  }
0x1b: {  	s1 =	rddreg [dreg:$0x1];
	p0 =	sne.s32 s2, $0x0  }
0x1c: {  	s3 =	rddreg [dreg:$0x2];
	[bflag:$0x3] =	sbarrier.arrive $0xFFFF;
	s2 =	simm.s32 @!p0 $0x1C01  }
0x1d: {  	[timem:s3], [sflag:s2] =	dma.local @!p0 [hbm:s0], s1  }
0x1e: {  	s0 =	simm.s32 @!p0 $0x1  }
0x1f: {  	_ =	swait.ge @!p0 [sflag:s0], s1  }
0x20: {  	s1 =	ssub.s32 @!p0 $0x0, s1;
	[sflag:s0] =	ssyncset.done @!p0 $0x0  }
0x21: {  	[sflag:s0] =	ssyncadd.s32 @!p0 s1  }
0x22: {  	[bflag:$0x3] =	sbarrier.arrive $0xFFFF  }
0x23: {  	_ =	shalt  }

</sc_bundles>
